<compile_context>
chip_gen: v7x
topology: tpu7x:2x2x1
jax: 0.10.2.dev20260603
libtpu: 0.0.44.dev20260713+nightly
codegen_flags: <defaults>
</compile_context>

<pallas_src>
import jax
import jax.numpy as jnp
from jax.experimental import pallas as pl


def _body(x_ref, m_ref, w_ref, b_ref, o_ref):
    xb = x_ref[0]
    mb = m_ref[0]
    proc = jax.lax.dot_general(
        w_ref[...].astype(jnp.bfloat16), xb.astype(jnp.bfloat16),
        (((0,), (0,)), ((), ())),
        preferred_element_type=jnp.float32,
    )
    proc = proc + b_ref[...]
    o_ref[0] = jnp.where(mb != 0.0, proc, xb)


def kernel(in_feat_map, act_mask, W, b):
    B, C, H, Wd = in_feat_map.shape
    HW = H * Wd
    Tp = 2048
    x = in_feat_map.reshape(B, C, HW)
    m = act_mask.astype(jnp.float32).reshape(B, 1, HW)
    out = pl.pallas_call(
        _body,
        grid=(B, HW // Tp),
        in_specs=[
            pl.BlockSpec((1, C, Tp), lambda i, j: (i, 0, j)),
            pl.BlockSpec((1, 1, Tp), lambda i, j: (i, 0, j)),
            pl.BlockSpec((C, C), lambda i, j: (0, 0)),
            pl.BlockSpec((C, 1), lambda i, j: (0, 0)),
        ],
        out_specs=pl.BlockSpec((1, C, Tp), lambda i, j: (i, 0, j)),
        out_shape=jax.ShapeDtypeStruct((B, C, HW), jnp.float32),
    )(x, m, W, b.reshape(C, 1))
    return out.reshape(B, C, H, Wd)

# --- scband reference (transcript-rebuilt; emitter-appended) ---
"""Pipeline reference for scband-id-base2d-17566416240796 (READ-ONLY COPY).

The authoritative reference and input builder live on the scoring server;
editing this copy changes nothing except your own understanding.
"""

import jax, jax.numpy as jnp
import numpy as np


def setup_inputs(seed: int = 0) -> dict:
    key = jax.random.key(seed)
    k1, k2, k3 = jax.random.split(key, 3)
    B, C, H, Wd = 4, 256, 128, 128
    in_feat_map = jax.random.normal(k1, (B, C, H, Wd), dtype=jnp.float32)
    act_mask = jax.random.randint(k2, (B, 1, H, Wd), 0, 2).astype(bool)
    # id module (id_cfg = Linear(256 -> 256)) parameters
    W = jax.random.normal(k3, (C, C), dtype=jnp.float32) * 0.02
    b = jnp.zeros((C,), dtype=jnp.float32)
    return {"in_feat_map": in_feat_map, "act_mask": act_mask, "W": W, "b": b}


def reference(in_feat_map, act_mask, W, b):
    # act_mask: [B, 1, H, W] bool -> squeeze channel dim
    am = jnp.squeeze(act_mask, axis=1)
    # move channels last: [B, H, W, C]
    feats = jnp.moveaxis(in_feat_map, 1, -1)
    # id module: Linear applied per pixel (identical per-row matmul to the
    # gathered form act_feats @ W + b)
    proc = feats @ W + b
    # masked scatter-equivalent: processed features at active positions,
    # original features at passive positions
    out = jnp.where(am[..., None], proc, feats)
    out_feat_map = jnp.moveaxis(out, -1, 1)
    return out_feat_map

if __name__ == "__main__":
    import jax
    _d = setup_inputs()
    print(jax.jit(kernel)(*tuple(_d.values())))

</pallas_src>

<mosaic_0001>
module attributes {stable_mosaic.version = 14 : i64} {
  func.func @_body(%arg0: i32, %arg1: i32, %arg2: memref<1x256x2048xf32, #tpu.memory_space<vmem>>, %arg3: memref<1x1x2048xf32, #tpu.memory_space<vmem>>, %arg4: memref<256x256xf32, #tpu.memory_space<vmem>>, %arg5: memref<256x1xf32, #tpu.memory_space<vmem>>, %arg6: memref<1x256x2048xf32, #tpu.memory_space<vmem>>) attributes {dimension_semantics = [#tpu.dimension_semantics<arbitrary>, #tpu.dimension_semantics<arbitrary>], iteration_bounds = array<i64: 4, 8>, scalar_prefetch = 0 : i64, scratch_operands = 0 : i64, tpu.core_type = #tpu.core_type<tc>, window_params = [{transform_indices = @transform_0, window_bounds = array<i64: 1, 256, 2048>}, {transform_indices = @transform_1, window_bounds = array<i64: 1, 1, 2048>}, {pipeline_mode = #tpu.pipeline_mode<synchronous>, transform_indices = @transform_2, window_bounds = array<i64: 256, 256>}, {pipeline_mode = #tpu.pipeline_mode<synchronous>, transform_indices = @transform_3, window_bounds = array<i64: 256, 1>}, {transform_indices = @transform_4, window_bounds = array<i64: 1, 256, 2048>}]} {
    %get3A = arith.constant 0 : index
    %get3A_0 = arith.constant 0 : index
    %get3A_1 = arith.constant 0 : index
    %get3A_2 = vector.load %arg2[%get3A, %get3A_0, %get3A_1] : memref<1x256x2048xf32, #tpu.memory_space<vmem>>, vector<1x256x2048xf32>
    %get3A_3 = vector.shape_cast %get3A_2 : vector<1x256x2048xf32> to vector<256x2048xf32>
    %get3A_4 = arith.constant 0 : index
    %get3A_5 = arith.constant 0 : index
    %get3A_6 = arith.constant 0 : index
    %get3A_7 = vector.load %arg3[%get3A_4, %get3A_5, %get3A_6] : memref<1x1x2048xf32, #tpu.memory_space<vmem>>, vector<1x1x2048xf32>
    %get3A_8 = vector.shape_cast %get3A_7 : vector<1x1x2048xf32> to vector<1x2048xf32>
    %get3A_9 = arith.constant 0 : index
    %get3A_10 = arith.constant 0 : index
    %get3A_11 = vector.load %arg4[%get3A_9, %get3A_10] : memref<256x256xf32, #tpu.memory_space<vmem>>, vector<256x256xf32>
    %convert_element_type3A = arith.truncf %get3A_11 : vector<256x256xf32> to vector<256x256xbf16>
    %convert_element_type3A_12 = arith.truncf %get3A_3 : vector<256x2048xf32> to vector<256x2048xbf16>
    %dot_general3A = arith.constant dense<0.000000e+00> : vector<256x2048xf32>
    %dot_general3A_13 = tpu.matmul %convert_element_type3A, %convert_element_type3A_12, %dot_general3A {dimension_numbers = #tpu.dot_dimension_numbers<[0], [0], [1], [1], [0, 1, 1, 1], [], []>, transpose_lhs_hint = false} : vector<256x256xbf16>, vector<256x2048xbf16>, vector<256x2048xf32> -> vector<256x2048xf32>
    %get3A_14 = arith.constant 0 : index
    %get3A_15 = arith.constant 0 : index
    %get3A_16 = vector.load %arg5[%get3A_14, %get3A_15] : memref<256x1xf32, #tpu.memory_space<vmem>>, vector<256x1xf32>
    %add3A = vector.broadcast %get3A_16 : vector<256x1xf32> to vector<256x2048xf32>
    %add3A_17 = arith.addf %dot_general3A_13, %add3A : vector<256x2048xf32>
    %ne3A = arith.constant 0.000000e+00 : f32
    %ne3A_18 = vector.broadcast %ne3A : f32 to vector<1x2048xf32>
    %ne3A_19 = arith.cmpf one, %get3A_8, %ne3A_18 : vector<1x2048xf32>
    %broadcast_in_dim3A = vector.shape_cast %ne3A_19 : vector<1x2048xi1> to vector<1x2048xi1>
    %broadcast_in_dim3A_20 = vector.broadcast %broadcast_in_dim3A : vector<1x2048xi1> to vector<256x2048xi1>
    %select_n3A = arith.select %broadcast_in_dim3A_20, %add3A_17, %get3A_3 : vector<256x2048xi1>, vector<256x2048xf32>
    %swap3A = arith.constant 0 : index
    %swap3A_21 = arith.constant 0 : index
    %swap3A_22 = arith.constant 0 : index
    %swap3A_23 = vector.load %arg6[%swap3A, %swap3A_21, %swap3A_22] : memref<1x256x2048xf32, #tpu.memory_space<vmem>>, vector<1x256x2048xf32>
    %swap3A_24 = vector.shape_cast %swap3A_23 : vector<1x256x2048xf32> to vector<256x2048xf32>
    %swap3A_25 = vector.shape_cast %select_n3A : vector<256x2048xf32> to vector<1x256x2048xf32>
    tpu.vector_store %arg6[%swap3A, %swap3A_21, %swap3A_22], %swap3A_25 {strides = array<i32>} : memref<1x256x2048xf32, #tpu.memory_space<vmem>>, vector<1x256x2048xf32>,
    return
  }
  func.func @transform_0(%arg0: i32, %arg1: i32) -> (i32, i32, i32) {
    %c0_i32 = arith.constant 0 : i32
    %c0_i32_0 = arith.constant 0 : i32
    return %arg0, %c0_i32, %arg1 : i32, i32, i32
  }
  func.func @transform_1(%arg0: i32, %arg1: i32) -> (i32, i32, i32) {
    %c0_i32 = arith.constant 0 : i32
    %c0_i32_0 = arith.constant 0 : i32
    return %arg0, %c0_i32, %arg1 : i32, i32, i32
  }
  func.func @transform_2(%arg0: i32, %arg1: i32) -> (i32, i32) {
    %c0_i32 = arith.constant 0 : i32
    %c0_i32_0 = arith.constant 0 : i32
    %c0_i32_1 = arith.constant 0 : i32
    return %c0_i32, %c0_i32_0 : i32, i32
  }
  func.func @transform_3(%arg0: i32, %arg1: i32) -> (i32, i32) {
    %c0_i32 = arith.constant 0 : i32
    %c0_i32_0 = arith.constant 0 : i32
    %c0_i32_1 = arith.constant 0 : i32
    return %c0_i32, %c0_i32_0 : i32, i32
  }
  func.func @transform_4(%arg0: i32, %arg1: i32) -> (i32, i32, i32) {
    %c0_i32 = arith.constant 0 : i32
    %c0_i32_0 = arith.constant 0 : i32
    return %arg0, %c0_i32, %arg1 : i32, i32, i32
  }
}

</mosaic_0001>

<sc_bundles>
// kernel: sparse-core-data-format-call.cloned.1.call-start
scs
called_computation_lowered:
.L_overlay_start_0:
0x0: {  	s2 =	sld [smem:$0x3FD9]  }
0x1: {  	s3 =	sld [smem:$0x3FFE];
	_ =	sdelay $0x1  }
0x2: {  	s1 =	srdreg.scid  }
0x3: {  	s0 =	sand.u32 $0x1, s1  }
0x4: {  	s18 =	sshll.u32 s0, $0xA;
	s2 =	sadd.s32 s3, s2  }
0x5: {  	s2 =	sadd.s32 s2, s18  }
0x6: {  	[smem:$0x3FC4] =	sst s2  }
0x7: {  	_ = 	snop  }
0x8: {  	s2 =	sld [smem:$0x3FD0];
	(tm) =	ssettm $0x1  }
0x9: {  	s19 =	sld [smem:$0x3FFB];
	_ =	sdelay $0x3  }
0xa: {  	_ =	strace s19  }
0xb: {  	s3 =	sld [smem:$0x3FFC];
	_ =	sdelay $0x3  }
0xc: {  	_ =	strace s3  }
0xd: {  	s3 =	sld [smem:$0x3FFD];
	_ =	sdelay $0x3  }
0xe: {  	_ =	strace s3  }
0xf: {  	_ =	strace $0x8FFFFFFF  }
0x10: {  	s20 =	sld [smem:$0x3FDB];
	_ =	sdelay $0x1  }
0x11: {  	s4 =	simm.s32 $_scs_section_size  }
0x12: {  	s5 =	simm.s32 $_size__tile_overlayer_lowered;
	s6 =	simm.s32 $_tile_overlayer_lowered  }
0x13: {  	s23 =	simm.s32 $0x1BFF;
	s22 =	sshll.u32 s6, $0x1;
	s3 =	sadd.s32 s4, s20  }
0x14: {  	s7 =	simm.s32 $0x0;
	s21 =	sshll.u32 s5, $0x1;
	s5 =	sadd.s32 s22, s3  }
0x15: {  	[timem:s7], [sflag:s23] =	dma.local [hbm:s5], s21  }
0x16: {  	_ =	swait.ge [sflag:s23], s21  }
0x17: {  	s4 =	ssub.s32 $0x0, s21;
	[sflag:s23] =	ssyncset.done $0x0  }
0x18: {  	[sflag:s23] =	ssyncadd.s32 s4;
	_ =	sdelay $0x1  }
0x19: {  	s24 =	simm.s32 $0x1B8B  }
0x1a: {  	_ =	swait.ge [sflag:s24], $0x1  }
0x1b: {  	[sflag:s24] =	ssyncset.done $0x0  }
0x1c: {  	s26 =	simm.s32 $0x1B8E;
	s25 =	sld [smem:$0x3FFE];
	[sflag:s24] =	ssyncadd.s32 $0xFFFFFFFF  }
0x1d: {  	s27 =	simm.s32 $execute0_lowered;
	[smem:$0x3FD2] =	sst s26  }
0x1e: {  	s5 =	sshll.u32 s27, $0x1;
	_ =	strace $0x80000046;
	[dreg:$0x1] =	wrdreg $0xFFFFFFFF  }
0x1f: {  	s28 =	simm.s32 $_size_execute0_lowered;
	s3 =	sadd.s32 s3, s5;
	[dreg:$0x0] =	wrdreg $0x0  }
0x20: {  	s5 =	sshll.u32 s28, $0x1;
	[dreg:$0x2] =	wrdreg s3  }
0x21: {  	[dreg:$0x3] =	wrdreg s5  }
0x22: {  	[dreg:$0x4] =	wrdreg $0xC0  }
0x23: {  	_ =	task [dreg:s7], $0x5FFFF  }
0x24: {  	[dreg:$0x1] =	wrdreg $0xFFFFFFFF  }
0x25: {  	[dreg:$0x0] =	wrdreg $0x60  }
0x26: {  	[dreg:$0x2] =	wrdreg s25  }
0x27: {  	[dreg:$0x3] =	wrdreg s2  }
0x28: {  	[dreg:$0x4] =	wrdreg $0x9  }
0x29: {  	_ =	task.clear_ibuf [dreg:s7], $0x5FFFF;
	_ =	strace $0x90000046  }
0x2a: {  	s29 =	simm.s32 $0x9;
	_ =	strace $0x80000048  }
0x2b: {  	_ =	swait.ge [sflag:s29], $0x1  }
0x2c: {  	[sflag:s29] =	ssyncadd.s32 $0xFFFFFFFF  }
0x2d: {  	_ =	strace $0x90000048  }
0x2e: {  	_ =	sfence  }
0x2f: {  	s30 =	sld [smem:$0x0];
	_ =	sdelay $0x2  }
0x30: {  	s31 =	sshll.u32 s1, $0xD;
	s1 =	sshrl.u32 s1, $0x2  }
0x31: {  	s3 =	sand.u32 $0x4000, s31;
	s1 =	sadd.s32 s1, s30  }
0x32: {  	s0 =	sor.u32 s3, s0;
	s1 =	sshll.u32 s1, $0x11  }
0x33: {  	s0 =	sor.u32 s1, s0  }
0x34: {  	s0 =	sadd.s32 $0x8F2B, s0  }
0x35: {  	[sflag:s0] =	ssyncadd.remote.s32 $0x1  }
0x36: {  	_ =	sfence.sel $0xFFFF  }
0x37: {  	[dreg:$0x0] =	wrdreg $0xFFFFFFFF;
	(pc) =	sbr.abs _section_cstart, $3  }
0x38: {  	[dreg:$0x1] =	wrdreg $0xFFFFFFFF  }
0x39: {  	_ =	task.clear_ibuf [dreg:s7], $0x2FFFF;
	_ =	strace $0x9FFFFFFF  }
0x3a: {  	(tm) =	ssettm $0x7FFFFFFF  }
0x3b: {  	_ =	shalt  }
tec
execute0_lowered:
.L_overlay_start_1:
0x0: {  	(tag) =	ssettag $0x1  }
0x1: {  	s1 =	rddreg [dreg:$0x0]  }
0x2: {  	s2 =	rddreg [dreg:$0x1]  }
0x3: {  	s0 =	rddreg [dreg:$0x2];
	_ =	strace $0x80000047;
	s4 =	srdreg.scid  }
0x4: {  	s6 =	simm.s32 $0x2;
	s11 =	simm.s32 $0x0;
	p0 =	por $0x0, $0x0  }
.Ltmp0:
0x5: {  	s7 =	simm.s32 $0x4000;
	s12 =	simm.s32 $0x0;
	(pc) =	sbr.rel .LBB1_1-.Ltmp0, $4  }
0x6: {  	s9 =	simm.s32 $0x0;
	s3 =	sadd.s32 $0x600, s1;
	s5 =	sshll.u32 s4, $0x4  }
0x7: {  	s1 =	stileid.u32;
	s4 =	simm.s32 $0x1;
	s5 =	sand.u32 $0x10, s5  }
0x8: {  	s8 =	simm.s32 $0x0;
	[sflag:s4] =	ssyncpa.u1 $0x0;
	s5 =	sor.u32 s1, s5  }
0x9: {  	[sflag:s6] =	ssyncpa.u1 $0x0;
	s6 =	simm.s32 $0x800;
	s10 =	smov.u32 s5  }
.LBB1_7:
0xa: {  	s13 =	sadd.s32 $0x10, s9  }
0xb: {  	s11 =	sadd.s32 $0x20, s10;
	s15 =	smov.u32 s10;
	p2 =	sgt.s32 s13, $0x7F  }
0xc: {  	p1 =	slt.u32 s8, $0x2;
	s15 =	smov.u32 @p2 s11  }
0xd: {  	s8 =	sadd.s32 $0x1, s8;
	s13 =	simm.s32 @p2 $0x0;
	p2 =	sgt.s32 s15, $0x7F  }
0xe: {  	s15 =	smov.u32 @p2 s5;
	p2 =	sne.s32 s8, $0x22  }
.Ltmp1:
0xf: {  	_ = 	snop;
	(pc) =	sbr.rel @!p2 .LBB1_8-.Ltmp1, $4  }
0x10: {  	s14 =	simm.s32 @!p1 $0x2  }
0x11: {  	s12 =	smov.u32 s10;
	_ =	swait.ge @!p1 [sflag:s14], $0x4000  }
0x12: {  	p0 =	por !p0, !p0;
	s11 =	smov.u32 s9;
	[sflag:s14] =	ssyncset.done @!p1 $0x0  }
0x13: {  	s9 =	smov.u32 s13;
	[sflag:s14] =	ssyncadd.s32 @!p1 $0xFFFFC000;
	s10 =	smov.u32 s15  }
.LBB1_1:
0x14: {  	p1 =	sgt.u32 s8, $0x1F  }
0x15: {  	s13 =	sxor.u32 @!p1 $0xFFFFFFFF, s8;
	s14 =	sshll.u32 @!p1 s10, $0xE  }
0x16: {  	s15 =	sshll.u32 @!p1 s9, $0x7;
	s13 =	sshll.u32 @!p1 s13, $0xE;
	s14 =	sadd.s32 @!p1 s3, s14  }
0x17: {  	s13 =	sand.u32 @!p1 $0x4000, s13;
	s14 =	sadd.s32 @!p1 s15, s14;
	s15 =	simm.s32 @!p1 $0x0  }
0x18: {  	[tilespmem:s13], [sflag:$0x1] =	stream.linear.gather @!p1 [hbm4b:s14+s15], $0x4000, $0x38;
	[tilespmem:$0x10000] =	vst v63  }
0x19: {  	p1 =	seq.s32 s8, $0x0  }
0x1a: {  	p2 =	seq.s32 @!p1 s8, $0x21  }
0x1b: {  	p1 =	por p1, p2  }
.Ltmp2:
0x1c: {  	_ = 	snop;
	(pc) =	sbr.rel @p1 .LBB1_7-.Ltmp2, $1  }
0x1d: {  	_ =	sdelay $0x3  }
0x1e: {  	s13 =	simm.s32 $0x1;
	_ =	swait.ge [sflag:s4], $0x4000;
	s16 =	sshll.u32 s8, $0xE  }
0x1f: {  	s13 =	simm.s32 @!p0 $0x0;
	[sflag:s4] =	ssyncset.done $0x0;
	s31 =	sand.u32 $0x4000, s16  }
0x20: {  	s16 =	simm.s32 $0x0;
	s14 =	sshll.u32 s13, $0xE;
	[sflag:s4] =	ssyncadd.s32 $0xFFFFC000  }
0x21: {  	s13 =	sor.u32 $0x8040, s14;
	s15 =	sor.u32 $0x40, s14;
	s14 =	sor.u32 $0x8000, s31  }
.LBB1_3:
0x22: {  	v0 =	vmov s15;
	_ =	sdelay $0x3  }
0x23: {  	s18 =	simm.s32 $0x0  }
0x24: {  	v6 =	vld.idx.msk [tilespmem:v0+s18+$0x30 ss:$0x1], $0xffff  }
0x25: {  	v7 =	vld.idx.msk [tilespmem:v0+s18+$0xFFFFFFC0 ss:$0x1], $0xffff  }
0x26: {  	v5 =	vld.idx.msk [tilespmem:v0+s18+$0xFFFFFFD0 ss:$0x1], $0xffff  }
0x27: {  	v4 =	vld.idx.msk [tilespmem:v0+s18+$0xFFFFFFE0 ss:$0x1], $0xffff  }
0x28: {  	v3 =	vld.idx.msk [tilespmem:v0+s18+$0xFFFFFFF0 ss:$0x1], $0xffff  }
0x29: {  	v1 =	vld.idx.msk [tilespmem:v0+s18+$0x0 ss:$0x1], $0xffff  }
0x2a: {  	v2 =	vld.idx.msk [tilespmem:v0+s18+$0x10 ss:$0x1], $0xffff;
	[tilespmem:s13+$0x30] =	vst v6  }
0x2b: {  	s17 =	simm.s32 $0x80;
	s19 =	simm.s32 $0x400;
	[tilespmem:s13+$0xFFFFFFC0] =	vst v7;
	v6 =	vld.idx.msk [tilespmem:v0+s18+$0x20 ss:$0x1], $0xffff;
	s18 =	smov.u32 s13  }
.LBB1_4:
0x2c: {  	p1 =	sne.s32 s19, $0xE00;
	v7 =	vld.idx.msk [tilespmem:v0+s17+$0x30 ss:$0x1], $0xffff;
	[tilespmem:s18+$0xFFFFFFD0] =	vst v5  }
0x2d: {  	v8 =	vld.idx.msk [tilespmem:v0+s17+$0xFFFFFFC0 ss:$0x1], $0xffff;
	[tilespmem:s18+$0xFFFFFFE0] =	vst v4  }
0x2e: {  	v5 =	vld.idx.msk [tilespmem:v0+s17+$0xFFFFFFD0 ss:$0x1], $0xffff;
	[tilespmem:s18+$0xFFFFFFF0] =	vst v3  }
.Ltmp3:
0x2f: {  	v4 =	vld.idx.msk [tilespmem:v0+s17+$0xFFFFFFE0 ss:$0x1], $0xffff;
	[tilespmem:s18+$0x0] =	vst v1;
	(pc) =	sbr.rel @p1 .LBB1_4-.Ltmp3, $4  }
0x30: {  	v3 =	vld.idx.msk [tilespmem:v0+s17+$0xFFFFFFF0 ss:$0x1], $0xffff;
	[tilespmem:s18+$0x10] =	vst v2  }
0x31: {  	v1 =	vld.idx.msk [tilespmem:v0+s17+$0x0 ss:$0x1], $0xffff;
	[tilespmem:s18+$0x20] =	vst v6;
	s18 =	sadd.s32 $0x800, s18  }
0x32: {  	v2 =	vld.idx.msk [tilespmem:v0+s17+$0x10 ss:$0x1], $0xffff;
	[tilespmem:s18+$0x30] =	vst v7  }
0x33: {  	[tilespmem:s18+$0xFFFFFFC0] =	vst v8;
	v6 =	vld.idx.msk [tilespmem:v0+s17+$0x20 ss:$0x1], $0xffff;
	s17 =	sshra.s32 s19, $0x2;
	s19 =	sadd.s32 $0x200, s19  }
0x34: {  	_ =	sdelay $0x2  }
0x35: {  	[tilespmem:s18+$0xFFFFFFD0] =	vst v5  }
0x36: {  	v56 =	vld.idx.msk [tilespmem:v0+s17+$0x30 ss:$0x1], $0xffff;
	[tilespmem:s18+$0xFFFFFFE0] =	vst v4  }
0x37: {  	v57 =	vld.idx.msk [tilespmem:v0+s17+$0xFFFFFFC0 ss:$0x1], $0xffff;
	[tilespmem:s18+$0xFFFFFFF0] =	vst v3  }
0x38: {  	v58 =	vld.idx.msk [tilespmem:v0+s17+$0xFFFFFFD0 ss:$0x1], $0xffff;
	[tilespmem:s18+$0x0] =	vst v1  }
0x39: {  	v59 =	vld.idx.msk [tilespmem:v0+s17+$0xFFFFFFE0 ss:$0x1], $0xffff;
	[tilespmem:s18+$0x10] =	vst v2  }
0x3a: {  	v60 =	vld.idx.msk [tilespmem:v0+s17+$0xFFFFFFF0 ss:$0x1], $0xffff;
	s31 =	sadd.s32 $0x800, s18;
	[tilespmem:s18+$0x20] =	vst v6  }
0x3b: {  	v61 =	vld.idx.msk [tilespmem:v0+s17+$0x0 ss:$0x1], $0xffff;
	[tilespmem:s31+$0x30] =	vst v56  }
0x3c: {  	v62 =	vld.idx.msk [tilespmem:v0+s17+$0x10 ss:$0x1], $0xffff;
	s16 =	sadd.s32 $0x1, s16;
	[tilespmem:s31+$0xFFFFFFC0] =	vst v57  }
0x3d: {  	v63 =	vld.idx.msk [tilespmem:v0+s17+$0x20 ss:$0x1], $0xffff;
	p1 =	sne.s32 s16, $0x10;
	[tilespmem:s31+$0xFFFFFFD0] =	vst v58  }
.Ltmp4:
0x3e: {  	[tilespmem:s31+$0xFFFFFFE0] =	vst v59;
	(pc) =	sbr.rel @p1 .LBB1_3-.Ltmp4, $4  }
0x3f: {  	[tilespmem:s31+$0xFFFFFFF0] =	vst v60  }
0x40: {  	[tilespmem:s31+$0x0] =	vst v61  }
0x41: {  	[tilespmem:s31+$0x10] =	vst v62  }
0x42: {  	s13 =	sadd.s32 $0x80, s13;
	s15 =	sadd.s32 $0x400, s15;
	[tilespmem:s31+$0x20] =	vst v63  }
.Ltmp5:
0x43: {  	(pc) =	sbr.rel .LBB1_7-.Ltmp5, $4  }
0x44: {  	s12 =	sshll.u32 s12, $0xE;
	s11 =	sshll.u32 s11, $0x4  }
0x45: {  	s11 =	sand.u32 $0x7F0, s11;
	s12 =	sadd.s32 s2, s12  }
0x46: {  	s11 =	sadd.s32 s11, s12  }
0x47: {  	[hbm4b:s11+s6] =	stream.strided.scatter [tilespmem:s14], [sflag:$0x2], $0x4000, s7, s6, $0x38;
	[tilespmem:$0x10000] =	vst v63  }
.LBB1_8:
0x48: {  	_ =	sfence.sel $0x180000  }
0x49: {  	s2 =	simm.s32 $0x1;
	[bflag:$0x0] =	sbarrier.arrive $0xFFFF  }
0x4a: {  	s31 =	simm.s32 $0x2;
	[sflag:s2] =	ssyncpa.u1 $0x1  }
0x4b: {  	[sflag:s31] =	ssyncpa.u1 $0x1  }
0x4c: {  	p0 =	sne.s32 s1, $0x0;
	_ =	strace $0x90000047  }
0x4d: {  	s0 =	sadd.s32 @!p0 $0x100000, s0;
	[bflag:$0x2] =	sbarrier.arrive $0xFFFF  }
0x4e: {  	[sflag:s0] =	ssyncadd.tile.s32 @!p0 $0x1;
	_ =	shalt  }
.Lfunc_end1:
_tile_overlayer_lowered:
.L_overlay_start_2:
0x4f: {  	(tag) =	ssettag $0x2  }
0x50: {  	s0 =	rddreg [dreg:$0x0];
	s2 =	stileid.u32  }
0x51: {  	s1 =	rddreg [dreg:$0x1];
	p0 =	sne.s32 s2, $0x0  }
0x52: {  	s3 =	rddreg [dreg:$0x2];
	[bflag:$0x3] =	sbarrier.arrive $0xFFFF;
	s2 =	simm.s32 @!p0 $0x1C01  }
0x53: {  	[timem:s3], [sflag:s2] =	dma.local @!p0 [hbm:s0], s1  }
0x54: {  	s0 =	simm.s32 @!p0 $0x1  }
0x55: {  	_ =	swait.ge @!p0 [sflag:s0], s1  }
0x56: {  	s1 =	ssub.s32 @!p0 $0x0, s1;
	[sflag:s0] =	ssyncset.done @!p0 $0x0  }
0x57: {  	[sflag:s0] =	ssyncadd.s32 @!p0 s1  }
0x58: {  	[bflag:$0x3] =	sbarrier.arrive $0xFFFF  }
0x59: {  	_ =	shalt  }

</sc_bundles>
